<compile_context>
chip_gen: v7x
topology: tpu7x:2x2x1
jax: 0.10.2.dev20260603
libtpu: 0.0.44.dev20260713+nightly
codegen_flags: <defaults>
</compile_context>

<pallas_src>
import functools

import jax
import jax.numpy as jnp
from jax import lax
from jax.experimental import pallas as pl
from jax.experimental.pallas import tpu as pltpu
from jax.experimental.pallas import tpu_sc as plsc

VOCAB = 100000
EDIM = 300
HID = 150
HPAD = 160
BATCH = 4096
HIST = 50
L = 16
NCHUNK = HPAD // L


def _proj_block(embT_ref, w1_ref, o_ref):
  o_ref[...] = lax.dot_general(
      embT_ref[...].astype(jnp.bfloat16),
      w1_ref[...].astype(jnp.bfloat16),
      dimension_numbers=(((0,), (0,)), ((), ())),
      preferred_element_type=jnp.float32)


def _tc_project(embT, w1p):
  bp = 2048
  nblk = -(-VOCAB // bp)
  return pl.pallas_call(
      _proj_block,
      grid=(nblk,),
      in_specs=[
          pl.BlockSpec((EDIM, bp), lambda i: (0, i)),
          pl.BlockSpec((EDIM, HPAD), lambda i: (0, 0)),
      ],
      out_specs=pl.BlockSpec((bp, HPAD), lambda i: (i, 0)),
      out_shape=jax.ShapeDtypeStruct((nblk * bp, HPAD), jnp.float32),
  )(embT, w1p)


def _sc_pool(x_i32, proj):
  mesh = plsc.VectorSubcoreMesh(core_axis_name="c", subcore_axis_name="s",
                                num_cores=2, num_subcores=16)
  nw = mesh.num_cores * mesh.num_subcores
  b_per_w = BATCH // nw

  @functools.partial(
      pl.kernel,
      out_type=jax.ShapeDtypeStruct((BATCH, HPAD), jnp.float32),
      mesh=mesh,
      scratch_types=[
          pltpu.VMEM((b_per_w, HIST), jnp.int32),
          pltpu.VMEM((HIST, HPAD), jnp.float32),
          pltpu.VMEM((HIST, HPAD), jnp.float32),
          pltpu.VMEM((b_per_w, HPAD), jnp.float32),
          pltpu.SemaphoreType.DMA,
          pltpu.SemaphoreType.DMA,
      ],
      compiler_params=pltpu.CompilerParams(use_tc_tiling_on_sc=False),
  )
  def pool(proj_hbm, x_hbm, out_hbm, idx_v, rows0_v, rows1_v, stage_v,
           sem0, sem1):
    wid = lax.axis_index("s") * mesh.num_cores + lax.axis_index("c")
    base = wid * b_per_w
    pltpu.sync_copy(x_hbm.at[pl.ds(base, b_per_w), :], idx_v)

    inv = jnp.full((L,), 1.0 / HIST, dtype=jnp.float32)
    rows = (rows0_v, rows1_v)
    sems = (sem0, sem1)

    pltpu.async_copy(proj_hbm.at[idx_v.at[0]], rows0_v, sem0)

    def per_sample(s, carry):
      parity = lax.rem(s, 2)

      @pl.when(s + 1 < b_per_w)
      def _():
        def start(p):
          pltpu.async_copy(proj_hbm.at[idx_v.at[s + 1]], rows[p], sems[p])
        lax.cond(parity == 0, lambda: start(1), lambda: start(0))

      def finish(p):
        pltpu.make_async_copy(proj_hbm.at[idx_v.at[s]], rows[p],
                              sems[p]).wait()

        def accum(r, accs):
          return tuple(accs[c] + rows[p][r, pl.ds(c * L, L)]
                       for c in range(NCHUNK))

        accs = lax.fori_loop(0, HIST, accum,
                             (jnp.zeros((L,), jnp.float32),) * NCHUNK)
        for c in range(NCHUNK):
          stage_v[s, pl.ds(c * L, L)] = accs[c] * inv

      lax.cond(parity == 0, lambda: finish(0), lambda: finish(1))
      return carry

    lax.fori_loop(0, b_per_w, per_sample, 0)
    pltpu.sync_copy(stage_v, out_hbm.at[pl.ds(base, b_per_w), :])

  return pool(proj, x_i32)


def _mlp_block(p_ref, b1_ref, w2_ref, b2_ref, w3_ref, b3_ref, o_ref):
  h = jnp.maximum(p_ref[...] + b1_ref[...], 0.0)
  h = jnp.dot(h, w2_ref[...], preferred_element_type=jnp.float32)
  h = jnp.maximum(h + b2_ref[...], 0.0)
  o_ref[...] = (
      jnp.dot(h, w3_ref[...], preferred_element_type=jnp.float32)
      + b3_ref[...])


def _tc_mlp(pooled, b1p, w2p, b2, w3, b3):
  bb = 1024
  return pl.pallas_call(
      _mlp_block,
      grid=(BATCH // bb,),
      in_specs=[
          pl.BlockSpec((bb, HPAD), lambda i: (i, 0)),
          pl.BlockSpec((1, HPAD), lambda i: (0, 0)),
          pl.BlockSpec((HPAD, HID), lambda i: (0, 0)),
          pl.BlockSpec((1, HID), lambda i: (0, 0)),
          pl.BlockSpec((HID, 1), lambda i: (0, 0)),
          pl.BlockSpec((1, 1), lambda i: (0, 0)),
      ],
      out_specs=pl.BlockSpec((bb, 1), lambda i: (i, 0)),
      out_shape=jax.ShapeDtypeStruct((BATCH, 1), jnp.float32),
  )(pooled, b1p, w2p, b2, w3, b3)


def kernel(x, embedding, w1, b1, w2, b2, w3, b3):
  x_i32 = x.astype(jnp.int32)
  w1p = jnp.pad(w1, ((0, 0), (0, HPAD - HID)))
  proj = _tc_project(embedding.T, w1p)
  pooled = _sc_pool(x_i32, proj)
  b1p = jnp.pad(b1, (0, HPAD - HID)).reshape(1, HPAD)
  w2p = jnp.pad(w2, ((0, HPAD - HID), (0, 0)))
  return _tc_mlp(pooled, b1p, w2p, b2.reshape(1, HID), w3,
                 b3.reshape(1, 1))

# --- scband reference (transcript-rebuilt; emitter-appended) ---
"""Pipeline reference for scband-baseline-model-72155450572900 (READ-ONLY COPY).

The authoritative reference and input builder live on the scoring server;
editing this copy changes nothing except your own understanding.
"""

import jax, jax.numpy as jnp
import numpy as np

VOCAB = 100000
EDIM = 300
BATCH = 4096
HIST = 50

def setup_inputs(seed: int = 0) -> dict:
    key = jax.random.key(seed)
    ks = jax.random.split(key, 8)
    emb = jax.random.normal(ks[0], (VOCAB, EDIM), dtype=jnp.float32)
    emb = emb.at[0].set(0.0)  # padding_idx=0 (frozen table)
    x = jax.random.randint(ks[1], (BATCH, HIST), 0, VOCAB, dtype=jnp.int64)
    w1 = jax.random.normal(ks[2], (300, 150), dtype=jnp.float32) * 0.05
    b1 = jnp.zeros((150,), dtype=jnp.float32)
    w2 = jax.random.normal(ks[3], (150, 150), dtype=jnp.float32) * 0.05
    b2 = jnp.zeros((150,), dtype=jnp.float32)
    w3 = jax.random.normal(ks[4], (150, 1), dtype=jnp.float32) * 0.05
    b3 = jnp.zeros((1,), dtype=jnp.float32)
    return {"x": x, "embedding": emb, "w1": w1, "b1": b1, "w2": w2, "b2": b2, "w3": w3, "b3": b3}

def reference(x, embedding, w1, b1, w2, b2, w3, b3):
    # Embedding lookup (gather)
    y = jnp.take(embedding, x, axis=0)          # [B, L, 300]
    y = jnp.mean(y, axis=1)                      # [B, 300]
    y = y @ w1 + b1                              # [B, 150]
    y = jax.nn.relu(y)
    y = y @ w2 + b2                              # [B, 150]
    y = jax.nn.relu(y)
    return y @ w3 + b3                           # [B, 1]

if __name__ == "__main__":
    import jax
    _d = setup_inputs()
    print(jax.jit(kernel)(*tuple(_d.values())))

</pallas_src>

<mosaic_0001>
#map = affine_map<(d0, d1) -> (0, 0)>
module attributes {stable_mosaic.version = 14 : i64} {
  func.func @pool(%arg0: i32, %arg1: i32, %arg2: memref<100352x160xf32, #tpu.memory_space<hbm>>, %arg3: memref<4096x50xi32, #tpu.memory_space<hbm>>, %arg4: memref<4096x160xf32, #tpu.memory_space<hbm>>, %arg5: memref<128x50xi32, #tpu.memory_space<vmem>>, %arg6: memref<50x160xf32, #tpu.memory_space<vmem>>, %arg7: memref<50x160xf32, #tpu.memory_space<vmem>>, %arg8: memref<128x160xf32, #tpu.memory_space<vmem>>, %arg9: memref<!tpu.dma_semaphore, #tpu.memory_space<semaphore_mem>>, %arg10: memref<!tpu.dma_semaphore, #tpu.memory_space<semaphore_mem>>) attributes {dimension_semantics = [#tpu.dimension_semantics<core_parallel>, #tpu.dimension_semantics<subcore_parallel>], iteration_bounds = array<i64: 2, 16>, scalar_prefetch = 0 : i64, scratch_operands = 6 : i64, tpu.core_type = #tpu.core_type<sc_vector_subcore>, window_params = [{transform_indices = #map}, {transform_indices = #map}, {transform_indices = #map}]} {
    %mul3A = arith.constant 2 : i32
    %mul3A_0 = arith.muli %arg1, %mul3A : i32
    %add3A = arith.addi %mul3A_0, %arg0 : i32
    %mul3A_1 = arith.constant 128 : i32
    %mul3A_2 = arith.muli %add3A, %mul3A_1 : i32
    "tpu.region"() ({
      %run_scoped3A = tpu.sem_alloc : memref<!tpu.dma_semaphore, #tpu.memory_space<semaphore_mem>>
      %dma_start3A_15 = arith.constant 0 : i32
      %dma_start3A_16 = tpu.memref_slice %arg3[%mul3A_2, %dma_start3A_15] : memref<4096x50xi32, #tpu.memory_space<hbm>> -> memref<128x50xi32, #tpu.memory_space<hbm>>
      %dma_start3A_17 = arith.constant 0 : i32
      %dma_start3A_18 = tpu.memref_slice %arg3[%mul3A_2, %dma_start3A_17] : memref<4096x50xi32, #tpu.memory_space<hbm>> -> memref<128x50xi32, #tpu.memory_space<hbm>>
      tpu.enqueue_dma source(%dma_start3A_18 : memref<128x50xi32, #tpu.memory_space<hbm>>) target(%arg5 : memref<128x50xi32, #tpu.memory_space<vmem>>) target_semaphore(%run_scoped3A : memref<!tpu.dma_semaphore, #tpu.memory_space<semaphore_mem>>)
      %dma_wait3A = arith.constant 0 : i32
      %dma_wait3A_19 = tpu.memref_slice %arg3[%mul3A_2, %dma_wait3A] : memref<4096x50xi32, #tpu.memory_space<hbm>> -> memref<128x50xi32, #tpu.memory_space<hbm>>
      %dma_wait3A_20 = arith.constant 0 : i32
      %dma_wait3A_21 = tpu.memref_slice %arg3[%mul3A_2, %dma_wait3A_20] : memref<4096x50xi32, #tpu.memory_space<hbm>> -> memref<128x50xi32, #tpu.memory_space<hbm>>
      tpu.wait_dma2 semaphore(%run_scoped3A : memref<!tpu.dma_semaphore, #tpu.memory_space<semaphore_mem>>) src(%dma_wait3A_21 : memref<128x50xi32, #tpu.memory_space<hbm>>) dst(%arg5 : memref<128x50xi32, #tpu.memory_space<vmem>>)
      tpu.yield
    }) : () -> ()
    %broadcast_in_dim3A = arith.constant 2.000000e-02 : f32
    %broadcast_in_dim3A_3 = vector.broadcast %broadcast_in_dim3A : f32 to vector<16xf32>
    %dma_start3A = arith.constant 0 : i32
    %dma_start3A_4 = arith.constant 0 : i32
    %dma_start3A_5 = tpu.memref_slice %arg5[%dma_start3A, %dma_start3A_4] : memref<128x50xi32, #tpu.memory_space<vmem>> -> memref<1x50xi32, #tpu.memory_space<vmem>>
    %dma_start3A_6 = tpu.memref_squeeze %dma_start3A_5 : memref<1x50xi32, #tpu.memory_space<vmem>> -> memref<50xi32, #tpu.memory_space<vmem>>
    %dma_start3A_7 = arith.constant 0 : i32
    %dma_start3A_8 = arith.constant 0 : i32
    %dma_start3A_9 = tpu.memref_slice %arg2[%dma_start3A_7, %dma_start3A_8] : memref<100352x160xf32, #tpu.memory_space<hbm>> -> memref<100352x160xf32, #tpu.memory_space<hbm>>
    tpu.enqueue_indirect_dma source(%dma_start3A_9 : memref<100352x160xf32, #tpu.memory_space<hbm>>) target(%arg6 : memref<50x160xf32, #tpu.memory_space<vmem>>) offsets(%dma_start3A_6 : memref<50xi32, #tpu.memory_space<vmem>>) semaphore(%arg9 : memref<!tpu.dma_semaphore, #tpu.memory_space<semaphore_mem>>)
    %scan3A = arith.constant 0 : i32
    %scan3A_10 = arith.constant 0 : i32
    %scan3A_11 = arith.constant 128 : i32
    %scan3A_12 = arith.addi %scan3A_10, %scan3A_11 : i32
    %scan3A_13 = arith.constant 1 : i32
    scf.for %scan3A_15 = %scan3A_10 to %scan3A_12 step %scan3A_13  : i32 {
      %rem3A = arith.constant 2 : i32
      %rem3A_16 = arith.remsi %scan3A_15, %rem3A : i32
      %add3A_17 = arith.constant 1 : i32
      %add3A_18 = arith.addi %scan3A_15, %add3A_17 : i32
      %lt3A = arith.constant 128 : i32
      %lt3A_19 = arith.cmpi slt, %add3A_18, %lt3A : i32
      %convert_element_type3A = arith.extui %lt3A_19 : i1 to i32
      %cond3A = arith.constant 0 : i32
      %cond3A_20 = arith.cmpi ne, %convert_element_type3A, %cond3A : i32
      scf.if %cond3A_20 {
        %eq3A_25 = arith.constant 0 : i32
        %eq3A_26 = arith.cmpi eq, %rem3A_16, %eq3A_25 : i32
        %convert_element_type3A_27 = arith.extui %eq3A_26 : i1 to i32
        %cond3A_28 = arith.constant 0 : i32
        %cond3A_29 = arith.cmpi ne, %convert_element_type3A_27, %cond3A_28 : i32
        scf.if %cond3A_29 {
          %add3A_30 = arith.constant 1 : i32
          %add3A_31 = arith.addi %scan3A_15, %add3A_30 : i32
          %dma_start3A_32 = arith.constant 0 : i32
          %dma_start3A_33 = tpu.memref_slice %arg5[%add3A_31, %dma_start3A_32] : memref<128x50xi32, #tpu.memory_space<vmem>> -> memref<1x50xi32, #tpu.memory_space<vmem>>
          %dma_start3A_34 = tpu.memref_squeeze %dma_start3A_33 : memref<1x50xi32, #tpu.memory_space<vmem>> -> memref<50xi32, #tpu.memory_space<vmem>>
          %dma_start3A_35 = arith.constant 0 : i32
          %dma_start3A_36 = arith.constant 0 : i32
          %dma_start3A_37 = tpu.memref_slice %arg2[%dma_start3A_35, %dma_start3A_36] : memref<100352x160xf32, #tpu.memory_space<hbm>> -> memref<100352x160xf32, #tpu.memory_space<hbm>>
          tpu.enqueue_indirect_dma source(%dma_start3A_37 : memref<100352x160xf32, #tpu.memory_space<hbm>>) target(%arg7 : memref<50x160xf32, #tpu.memory_space<vmem>>) offsets(%dma_start3A_34 : memref<50xi32, #tpu.memory_space<vmem>>) semaphore(%arg10 : memref<!tpu.dma_semaphore, #tpu.memory_space<semaphore_mem>>)
        } else {
          %add3A_30 = arith.constant 1 : i32
          %add3A_31 = arith.addi %scan3A_15, %add3A_30 : i32
          %dma_start3A_32 = arith.constant 0 : i32
          %dma_start3A_33 = tpu.memref_slice %arg5[%add3A_31, %dma_start3A_32] : memref<128x50xi32, #tpu.memory_space<vmem>> -> memref<1x50xi32, #tpu.memory_space<vmem>>
          %dma_start3A_34 = tpu.memref_squeeze %dma_start3A_33 : memref<1x50xi32, #tpu.memory_space<vmem>> -> memref<50xi32, #tpu.memory_space<vmem>>
          %dma_start3A_35 = arith.constant 0 : i32
          %dma_start3A_36 = arith.constant 0 : i32
          %dma_start3A_37 = tpu.memref_slice %arg2[%dma_start3A_35, %dma_start3A_36] : memref<100352x160xf32, #tpu.memory_space<hbm>> -> memref<100352x160xf32, #tpu.memory_space<hbm>>
          tpu.enqueue_indirect_dma source(%dma_start3A_37 : memref<100352x160xf32, #tpu.memory_space<hbm>>) target(%arg6 : memref<50x160xf32, #tpu.memory_space<vmem>>) offsets(%dma_start3A_34 : memref<50xi32, #tpu.memory_space<vmem>>) semaphore(%arg9 : memref<!tpu.dma_semaphore, #tpu.memory_space<semaphore_mem>>)
        }
      } else {
      }
      %eq3A = arith.constant 0 : i32
      %eq3A_21 = arith.cmpi eq, %rem3A_16, %eq3A : i32
      %convert_element_type3A_22 = arith.extui %eq3A_21 : i1 to i32
      %cond3A_23 = arith.constant 0 : i32
      %cond3A_24 = arith.cmpi ne, %convert_element_type3A_22, %cond3A_23 : i32
      scf.if %cond3A_24 {
        %dma_wait3A = arith.constant 0 : i32
        %dma_wait3A_25 = tpu.memref_slice %arg5[%scan3A_15, %dma_wait3A] : memref<128x50xi32, #tpu.memory_space<vmem>> -> memref<1x50xi32, #tpu.memory_space<vmem>>
        %dma_wait3A_26 = tpu.memref_squeeze %dma_wait3A_25 : memref<1x50xi32, #tpu.memory_space<vmem>> -> memref<50xi32, #tpu.memory_space<vmem>>
        %dma_wait3A_27 = arith.constant 0 : i32
        %dma_wait3A_28 = arith.constant 0 : i32
        %dma_wait3A_29 = tpu.memref_slice %arg2[%dma_wait3A_27, %dma_wait3A_28] : memref<100352x160xf32, #tpu.memory_space<hbm>> -> memref<100352x160xf32, #tpu.memory_space<hbm>>
        tpu.wait_indirect_dma semaphore(%arg9 : memref<!tpu.dma_semaphore, #tpu.memory_space<semaphore_mem>>) src(%dma_wait3A_29 : memref<100352x160xf32, #tpu.memory_space<hbm>>) dst(%arg6 : memref<50x160xf32, #tpu.memory_space<vmem>>)
        %broadcast_in_dim3A_30 = arith.constant 0.000000e+00 : f32
        %broadcast_in_dim3A_31 = vector.broadcast %broadcast_in_dim3A_30 : f32 to vector<16xf32>
        %scan3A_32 = arith.constant 0 : i32
        %scan3A_33 = arith.constant 50 : i32
        %scan3A_34 = arith.addi %scan3A_32, %scan3A_33 : i32
        %scan3A_35 = arith.constant 1 : i32
        %scan3A_36:10 = scf.for %scan3A_97 = %scan3A_32 to %scan3A_34 step %scan3A_35 iter_args(%scan3A_98 = %broadcast_in_dim3A_31, %scan3A_99 = %broadcast_in_dim3A_31, %scan3A_100 = %broadcast_in_dim3A_31, %scan3A_101 = %broadcast_in_dim3A_31, %scan3A_102 = %broadcast_in_dim3A_31, %scan3A_103 = %broadcast_in_dim3A_31, %scan3A_104 = %broadcast_in_dim3A_31, %scan3A_105 = %broadcast_in_dim3A_31, %scan3A_106 = %broadcast_in_dim3A_31, %scan3A_107 = %broadcast_in_dim3A_31) -> (vector<16xf32>, vector<16xf32>, vector<16xf32>, vector<16xf32>, vector<16xf32>, vector<16xf32>, vector<16xf32>, vector<16xf32>, vector<16xf32>, vector<16xf32>)  : i32 {
          %get3A = arith.index_cast %scan3A_97 : i32 to index
          %get3A_108 = arith.constant 0 : index
          %get3A_109 = tpu.vector_load %arg6[%get3A, %get3A_108] {strides = array<i32>} : memref<50x160xf32, #tpu.memory_space<vmem>>, vector<1x16xf32>,
          %get3A_110 = vector.shape_cast %get3A_109 : vector<1x16xf32> to vector<16xf32>
          %add3A_111 = arith.addf %scan3A_98, %get3A_110 : vector<16xf32>
          %get3A_112 = arith.index_cast %scan3A_97 : i32 to index
          %get3A_113 = arith.constant 16 : index
          %get3A_114 = tpu.vector_load %arg6[%get3A_112, %get3A_113] {strides = array<i32>} : memref<50x160xf32, #tpu.memory_space<vmem>>, vector<1x16xf32>,
          %get3A_115 = vector.shape_cast %get3A_114 : vector<1x16xf32> to vector<16xf32>
          %add3A_116 = arith.addf %scan3A_99, %get3A_115 : vector<16xf32>
          %get3A_117 = arith.index_cast %scan3A_97 : i32 to index
          %get3A_118 = arith.constant 32 : index
          %get3A_119 = tpu.vector_load %arg6[%get3A_117, %get3A_118] {strides = array<i32>} : memref<50x160xf32, #tpu.memory_space<vmem>>, vector<1x16xf32>,
          %get3A_120 = vector.shape_cast %get3A_119 : vector<1x16xf32> to vector<16xf32>
          %add3A_121 = arith.addf %scan3A_100, %get3A_120 : vector<16xf32>
          %get3A_122 = arith.index_cast %scan3A_97 : i32 to index
          %get3A_123 = arith.constant 48 : index
          %get3A_124 = tpu.vector_load %arg6[%get3A_122, %get3A_123] {strides = array<i32>} : memref<50x160xf32, #tpu.memory_space<vmem>>, vector<1x16xf32>,
          %get3A_125 = vector.shape_cast %get3A_124 : vector<1x16xf32> to vector<16xf32>
          %add3A_126 = arith.addf %scan3A_101, %get3A_125 : vector<16xf32>
          %get3A_127 = arith.index_cast %scan3A_97 : i32 to index
          %get3A_128 = arith.constant 64 : index
          %get3A_129 = tpu.vector_load %arg6[%get3A_127, %get3A_128] {strides = array<i32>} : memref<50x160xf32, #tpu.memory_space<vmem>>, vector<1x16xf32>,
          %get3A_130 = vector.shape_cast %get3A_129 : vector<1x16xf32> to vector<16xf32>
          %add3A_131 = arith.addf %scan3A_102, %get3A_130 : vector<16xf32>
          %get3A_132 = arith.index_cast %scan3A_97 : i32 to index
          %get3A_133 = arith.constant 80 : index
          %get3A_134 = tpu.vector_load %arg6[%get3A_132, %get3A_133] {strides = array<i32>} : memref<50x160xf32, #tpu.memory_space<vmem>>, vector<1x16xf32>,
          %get3A_135 = vector.shape_cast %get3A_134 : vector<1x16xf32> to vector<16xf32>
          %add3A_136 = arith.addf %scan3A_103, %get3A_135 : vector<16xf32>
          %get3A_137 = arith.index_cast %scan3A_97 : i32 to index
          %get3A_138 = arith.constant 96 : index
          %get3A_139 = tpu.vector_load %arg6[%get3A_137, %get3A_138] {strides = array<i32>} : memref<50x160xf32, #tpu.memory_space<vmem>>, vector<1x16xf32>,
          %get3A_140 = vector.shape_cast %get3A_139 : vector<1x16xf32> to vector<16xf32>
          %add3A_141 = arith.addf %scan3A_104, %get3A_140 : vector<16xf32>
          %get3A_142 = arith.index_cast %scan3A_97 : i32 to index
          %get3A_143 = arith.constant 112 : index
          %get3A_144 = tpu.vector_load %arg6[%get3A_142, %get3A_143] {strides = array<i32>} : memref<50x160xf32, #tpu.memory_space<vmem>>, vector<1x16xf32>,
          %get3A_145 = vector.shape_cast %get3A_144 : vector<1x16xf32> to vector<16xf32>
          %add3A_146 = arith.addf %scan3A_105, %get3A_145 : vector<16xf32>
          %get3A_147 = arith.index_cast %scan3A_97 : i32 to index
          %get3A_148 = arith.constant 128 : index
          %get3A_149 = tpu.vector_load %arg6[%get3A_147, %get3A_148] {strides = array<i32>} : memref<50x160xf32, #tpu.memory_space<vmem>>, vector<1x16xf32>,
          %get3A_150 = vector.shape_cast %get3A_149 : vector<1x16xf32> to vector<16xf32>
          %add3A_151 = arith.addf %scan3A_106, %get3A_150 : vector<16xf32>
          %get3A_152 = arith.index_cast %scan3A_97 : i32 to index
          %get3A_153 = arith.constant 144 : index
          %get3A_154 = tpu.vector_load %arg6[%get3A_152, %get3A_153] {strides = array<i32>} : memref<50x160xf32, #tpu.memory_space<vmem>>, vector<1x16xf32>,
          %get3A_155 = vector.shape_cast %get3A_154 : vector<1x16xf32> to vector<16xf32>
          %add3A_156 = arith.addf %scan3A_107, %get3A_155 : vector<16xf32>
          scf.yield %add3A_111, %add3A_116, %add3A_121, %add3A_126, %add3A_131, %add3A_136, %add3A_141, %add3A_146, %add3A_151, %add3A_156 : vector<16xf32>, vector<16xf32>, vector<16xf32>, vector<16xf32>, vector<16xf32>, vector<16xf32>, vector<16xf32>, vector<16xf32>, vector<16xf32>, vector<16xf32>
        }
        %scan3A_37 = arith.constant 50 : i32
        %mul3A_38 = arith.mulf %scan3A_36#0, %broadcast_in_dim3A_3 : vector<16xf32>
        %swap3A = arith.index_cast %scan3A_15 : i32 to index
        %swap3A_39 = arith.constant 0 : index
        %swap3A_40 = tpu.vector_load %arg8[%swap3A, %swap3A_39] {strides = array<i32>} : memref<128x160xf32, #tpu.memory_space<vmem>>, vector<1x16xf32>,
        %swap3A_41 = vector.shape_cast %swap3A_40 : vector<1x16xf32> to vector<16xf32>
        %swap3A_42 = vector.shape_cast %mul3A_38 : vector<16xf32> to vector<1x16xf32>
        tpu.vector_store %arg8[%swap3A, %swap3A_39], %swap3A_42 {strides = array<i32>} : memref<128x160xf32, #tpu.memory_space<vmem>>, vector<1x16xf32>,
        %mul3A_43 = arith.mulf %scan3A_36#1, %broadcast_in_dim3A_3 : vector<16xf32>
        %swap3A_44 = arith.index_cast %scan3A_15 : i32 to index
        %swap3A_45 = arith.constant 16 : index
        %swap3A_46 = tpu.vector_load %arg8[%swap3A_44, %swap3A_45] {strides = array<i32>} : memref<128x160xf32, #tpu.memory_space<vmem>>, vector<1x16xf32>,
        %swap3A_47 = vector.shape_cast %swap3A_46 : vector<1x16xf32> to vector<16xf32>
        %swap3A_48 = vector.shape_cast %mul3A_43 : vector<16xf32> to vector<1x16xf32>
        tpu.vector_store %arg8[%swap3A_44, %swap3A_45], %swap3A_48 {strides = array<i32>} : memref<128x160xf32, #tpu.memory_space<vmem>>, vector<1x16xf32>,
        %mul3A_49 = arith.mulf %scan3A_36#2, %broadcast_in_dim3A_3 : vector<16xf32>
        %swap3A_50 = arith.index_cast %scan3A_15 : i32 to index
        %swap3A_51 = arith.constant 32 : index
        %swap3A_52 = tpu.vector_load %arg8[%swap3A_50, %swap3A_51] {strides = array<i32>} : memref<128x160xf32, #tpu.memory_space<vmem>>, vector<1x16xf32>,
        %swap3A_53 = vector.shape_cast %swap3A_52 : vector<1x16xf32> to vector<16xf32>
        %swap3A_54 = vector.shape_cast %mul3A_49 : vector<16xf32> to vector<1x16xf32>
        tpu.vector_store %arg8[%swap3A_50, %swap3A_51], %swap3A_54 {strides = array<i32>} : memref<128x160xf32, #tpu.memory_space<vmem>>, vector<1x16xf32>,
        %mul3A_55 = arith.mulf %scan3A_36#3, %broadcast_in_dim3A_3 : vector<16xf32>
        %swap3A_56 = arith.index_cast %scan3A_15 : i32 to index
        %swap3A_57 = arith.constant 48 : index
        %swap3A_58 = tpu.vector_load %arg8[%swap3A_56, %swap3A_57] {strides = array<i32>} : memref<128x160xf32, #tpu.memory_space<vmem>>, vector<1x16xf32>,
        %swap3A_59 = vector.shape_cast %swap3A_58 : vector<1x16xf32> to vector<16xf32>
        %swap3A_60 = vector.shape_cast %mul3A_55 : vector<16xf32> to vector<1x16xf32>
        tpu.vector_store %arg8[%swap3A_56, %swap3A_57], %swap3A_60 {strides = array<i32>} : memref<128x160xf32, #tpu.memory_space<vmem>>, vector<1x16xf32>,
        %mul3A_61 = arith.mulf %scan3A_36#4, %broadcast_in_dim3A_3 : vector<16xf32>
        %swap3A_62 = arith.index_cast %scan3A_15 : i32 to index
        %swap3A_63 = arith.constant 64 : index
        %swap3A_64 = tpu.vector_load %arg8[%swap3A_62, %swap3A_63] {strides = array<i32>} : memref<128x160xf32, #tpu.memory_space<vmem>>, vector<1x16xf32>,
        %swap3A_65 = vector.shape_cast %swap3A_64 : vector<1x16xf32> to vector<16xf32>
        %swap3A_66 = vector.shape_cast %mul3A_61 : vector<16xf32> to vector<1x16xf32>
        tpu.vector_store %arg8[%swap3A_62, %swap3A_63], %swap3A_66 {strides = array<i32>} : memref<128x160xf32, #tpu.memory_space<vmem>>, vector<1x16xf32>,
        %mul3A_67 = arith.mulf %scan3A_36#5, %broadcast_in_dim3A_3 : vector<16xf32>
        %swap3A_68 = arith.index_cast %scan3A_15 : i32 to index
        %swap3A_69 = arith.constant 80 : index
        %swap3A_70 = tpu.vector_load %arg8[%swap3A_68, %swap3A_69] {strides = array<i32>} : memref<128x160xf32, #tpu.memory_space<vmem>>, vector<1x16xf32>,
        %swap3A_71 = vector.shape_cast %swap3A_70 : vector<1x16xf32> to vector<16xf32>
        %swap3A_72 = vector.shape_cast %mul3A_67 : vector<16xf32> to vector<1x16xf32>
        tpu.vector_store %arg8[%swap3A_68, %swap3A_69], %swap3A_72 {strides = array<i32>} : memref<128x160xf32, #tpu.memory_space<vmem>>, vector<1x16xf32>,
        %mul3A_73 = arith.mulf %scan3A_36#6, %broadcast_in_dim3A_3 : vector<16xf32>
        %swap3A_74 = arith.index_cast %scan3A_15 : i32 to index
        %swap3A_75 = arith.constant 96 : index
        %swap3A_76 = tpu.vector_load %arg8[%swap3A_74, %swap3A_75] {strides = array<i32>} : memref<128x160xf32, #tpu.memory_space<vmem>>, vector<1x16xf32>,
        %swap3A_77 = vector.shape_cast %swap3A_76 : vector<1x16xf32> to vector<16xf32>
        %swap3A_78 = vector.shape_cast %mul3A_73 : vector<16xf32> to vector<1x16xf32>
        tpu.vector_store %arg8[%swap3A_74, %swap3A_75], %swap3A_78 {strides = array<i32>} : memref<128x160xf32, #tpu.memory_space<vmem>>, vector<1x16xf32>,
        %mul3A_79 = arith.mulf %scan3A_36#7, %broadcast_in_dim3A_3 : vector<16xf32>
        %swap3A_80 = arith.index_cast %scan3A_15 : i32 to index
        %swap3A_81 = arith.constant 112 : index
        %swap3A_82 = tpu.vector_load %arg8[%swap3A_80, %swap3A_81] {strides = array<i32>} : memref<128x160xf32, #tpu.memory_space<vmem>>, vector<1x16xf32>,
        %swap3A_83 = vector.shape_cast %swap3A_82 : vector<1x16xf32> to vector<16xf32>
        %swap3A_84 = vector.shape_cast %mul3A_79 : vector<16xf32> to vector<1x16xf32>
        tpu.vector_store %arg8[%swap3A_80, %swap3A_81], %swap3A_84 {strides = array<i32>} : memref<128x160xf32, #tpu.memory_space<vmem>>, vector<1x16xf32>,
        %mul3A_85 = arith.mulf %scan3A_36#8, %broadcast_in_dim3A_3 : vector<16xf32>
        %swap3A_86 = arith.index_cast %scan3A_15 : i32 to index
        %swap3A_87 = arith.constant 128 : index
        %swap3A_88 = tpu.vector_load %arg8[%swap3A_86, %swap3A_87] {strides = array<i32>} : memref<128x160xf32, #tpu.memory_space<vmem>>, vector<1x16xf32>,
        %swap3A_89 = vector.shape_cast %swap3A_88 : vector<1x16xf32> to vector<16xf32>
        %swap3A_90 = vector.shape_cast %mul3A_85 : vector<16xf32> to vector<1x16xf32>
        tpu.vector_store %arg8[%swap3A_86, %swap3A_87], %swap3A_90 {strides = array<i32>} : memref<128x160xf32, #tpu.memory_space<vmem>>, vector<1x16xf32>,
        %mul3A_91 = arith.mulf %scan3A_36#9, %broadcast_in_dim3A_3 : vector<16xf32>
        %swap3A_92 = arith.index_cast %scan3A_15 : i32 to index
        %swap3A_93 = arith.constant 144 : index
        %swap3A_94 = tpu.vector_load %arg8[%swap3A_92, %swap3A_93] {strides = array<i32>} : memref<128x160xf32, #tpu.memory_space<vmem>>, vector<1x16xf32>,
        %swap3A_95 = vector.shape_cast %swap3A_94 : vector<1x16xf32> to vector<16xf32>
        %swap3A_96 = vector.shape_cast %mul3A_91 : vector<16xf32> to vector<1x16xf32>
        tpu.vector_store %arg8[%swap3A_92, %swap3A_93], %swap3A_96 {strides = array<i32>} : memref<128x160xf32, #tpu.memory_space<vmem>>, vector<1x16xf32>,
      } else {
        %dma_wait3A = arith.constant 0 : i32
        %dma_wait3A_25 = tpu.memref_slice %arg5[%scan3A_15, %dma_wait3A] : memref<128x50xi32, #tpu.memory_space<vmem>> -> memref<1x50xi32, #tpu.memory_space<vmem>>
        %dma_wait3A_26 = tpu.memref_squeeze %dma_wait3A_25 : memref<1x50xi32, #tpu.memory_space<vmem>> -> memref<50xi32, #tpu.memory_space<vmem>>
        %dma_wait3A_27 = arith.constant 0 : i32
        %dma_wait3A_28 = arith.constant 0 : i32
        %dma_wait3A_29 = tpu.memref_slice %arg2[%dma_wait3A_27, %dma_wait3A_28] : memref<100352x160xf32, #tpu.memory_space<hbm>> -> memref<100352x160xf32, #tpu.memory_space<hbm>>
        tpu.wait_indirect_dma semaphore(%arg10 : memref<!tpu.dma_semaphore, #tpu.memory_space<semaphore_mem>>) src(%dma_wait3A_29 : memref<100352x160xf32, #tpu.memory_space<hbm>>) dst(%arg7 : memref<50x160xf32, #tpu.memory_space<vmem>>)
        %broadcast_in_dim3A_30 = arith.constant 0.000000e+00 : f32
        %broadcast_in_dim3A_31 = vector.broadcast %broadcast_in_dim3A_30 : f32 to vector<16xf32>
        %scan3A_32 = arith.constant 0 : i32
        %scan3A_33 = arith.constant 50 : i32
        %scan3A_34 = arith.addi %scan3A_32, %scan3A_33 : i32
        %scan3A_35 = arith.constant 1 : i32
        %scan3A_36:10 = scf.for %scan3A_97 = %scan3A_32 to %scan3A_34 step %scan3A_35 iter_args(%scan3A_98 = %broadcast_in_dim3A_31, %scan3A_99 = %broadcast_in_dim3A_31, %scan3A_100 = %broadcast_in_dim3A_31, %scan3A_101 = %broadcast_in_dim3A_31, %scan3A_102 = %broadcast_in_dim3A_31, %scan3A_103 = %broadcast_in_dim3A_31, %scan3A_104 = %broadcast_in_dim3A_31, %scan3A_105 = %broadcast_in_dim3A_31, %scan3A_106 = %broadcast_in_dim3A_31, %scan3A_107 = %broadcast_in_dim3A_31) -> (vector<16xf32>, vector<16xf32>, vector<16xf32>, vector<16xf32>, vector<16xf32>, vector<16xf32>, vector<16xf32>, vector<16xf32>, vector<16xf32>, vector<16xf32>)  : i32 {
          %get3A = arith.index_cast %scan3A_97 : i32 to index
          %get3A_108 = arith.constant 0 : index
          %get3A_109 = tpu.vector_load %arg7[%get3A, %get3A_108] {strides = array<i32>} : memref<50x160xf32, #tpu.memory_space<vmem>>, vector<1x16xf32>,
          %get3A_110 = vector.shape_cast %get3A_109 : vector<1x16xf32> to vector<16xf32>
          %add3A_111 = arith.addf %scan3A_98, %get3A_110 : vector<16xf32>
          %get3A_112 = arith.index_cast %scan3A_97 : i32 to index
          %get3A_113 = arith.constant 16 : index
          %get3A_114 = tpu.vector_load %arg7[%get3A_112, %get3A_113] {strides = array<i32>} : memref<50x160xf32, #tpu.memory_space<vmem>>, vector<1x16xf32>,
          %get3A_115 = vector.shape_cast %get3A_114 : vector<1x16xf32> to vector<16xf32>
          %add3A_116 = arith.addf %scan3A_99, %get3A_115 : vector<16xf32>
          %get3A_117 = arith.index_cast %scan3A_97 : i32 to index
          %get3A_118 = arith.constant 32 : index
          %get3A_119 = tpu.vector_load %arg7[%get3A_117, %get3A_118] {strides = array<i32>} : memref<50x160xf32, #tpu.memory_space<vmem>>, vector<1x16xf32>,
          %get3A_120 = vector.shape_cast %get3A_119 : vector<1x16xf32> to vector<16xf32>
          %add3A_121 = arith.addf %scan3A_100, %get3A_120 : vector<16xf32>
          %get3A_122 = arith.index_cast %scan3A_97 : i32 to index
          %get3A_123 = arith.constant 48 : index
          %get3A_124 = tpu.vector_load %arg7[%get3A_122, %get3A_123] {strides = array<i32>} : memref<50x160xf32, #tpu.memory_space<vmem>>, vector<1x16xf32>,
          %get3A_125 = vector.shape_cast %get3A_124 : vector<1x16xf32> to vector<16xf32>
          %add3A_126 = arith.addf %scan3A_101, %get3A_125 : vector<16xf32>
          %get3A_127 = arith.index_cast %scan3A_97 : i32 to index
          %get3A_128 = arith.constant 64 : index
          %get3A_129 = tpu.vector_load %arg7[%get3A_127, %get3A_128] {strides = array<i32>} : memref<50x160xf32, #tpu.memory_space<vmem>>, vector<1x16xf32>,
          %get3A_130 = vector.shape_cast %get3A_129 : vector<1x16xf32> to vector<16xf32>
          %add3A_131 = arith.addf %scan3A_102, %get3A_130 : vector<16xf32>
          %get3A_132 = arith.index_cast %scan3A_97 : i32 to index
          %get3A_133 = arith.constant 80 : index
          %get3A_134 = tpu.vector_load %arg7[%get3A_132, %get3A_133] {strides = array<i32>} : memref<50x160xf32, #tpu.memory_space<vmem>>, vector<1x16xf32>,
          %get3A_135 = vector.shape_cast %get3A_134 : vector<1x16xf32> to vector<16xf32>
          %add3A_136 = arith.addf %scan3A_103, %get3A_135 : vector<16xf32>
          %get3A_137 = arith.index_cast %scan3A_97 : i32 to index
          %get3A_138 = arith.constant 96 : index
          %get3A_139 = tpu.vector_load %arg7[%get3A_137, %get3A_138] {strides = array<i32>} : memref<50x160xf32, #tpu.memory_space<vmem>>, vector<1x16xf32>,
          %get3A_140 = vector.shape_cast %get3A_139 : vector<1x16xf32> to vector<16xf32>
          %add3A_141 = arith.addf %scan3A_104, %get3A_140 : vector<16xf32>
          %get3A_142 = arith.index_cast %scan3A_97 : i32 to index
          %get3A_143 = arith.constant 112 : index
          %get3A_144 = tpu.vector_load %arg7[%get3A_142, %get3A_143] {strides = array<i32>} : memref<50x160xf32, #tpu.memory_space<vmem>>, vector<1x16xf32>,
          %get3A_145 = vector.shape_cast %get3A_144 : vector<1x16xf32> to vector<16xf32>
          %add3A_146 = arith.addf %scan3A_105, %get3A_145 : vector<16xf32>
          %get3A_147 = arith.index_cast %scan3A_97 : i32 to index
          %get3A_148 = arith.constant 128 : index
          %get3A_149 = tpu.vector_load %arg7[%get3A_147, %get3A_148] {strides = array<i32>} : memref<50x160xf32, #tpu.memory_space<vmem>>, vector<1x16xf32>,
          %get3A_150 = vector.shape_cast %get3A_149 : vector<1x16xf32> to vector<16xf32>
          %add3A_151 = arith.addf %scan3A_106, %get3A_150 : vector<16xf32>
          %get3A_152 = arith.index_cast %scan3A_97 : i32 to index
          %get3A_153 = arith.constant 144 : index
          %get3A_154 = tpu.vector_load %arg7[%get3A_152, %get3A_153] {strides = array<i32>} : memref<50x160xf32, #tpu.memory_space<vmem>>, vector<1x16xf32>,
          %get3A_155 = vector.shape_cast %get3A_154 : vector<1x16xf32> to vector<16xf32>
          %add3A_156 = arith.addf %scan3A_107, %get3A_155 : vector<16xf32>
          scf.yield %add3A_111, %add3A_116, %add3A_121, %add3A_126, %add3A_131, %add3A_136, %add3A_141, %add3A_146, %add3A_151, %add3A_156 : vector<16xf32>, vector<16xf32>, vector<16xf32>, vector<16xf32>, vector<16xf32>, vector<16xf32>, vector<16xf32>, vector<16xf32>, vector<16xf32>, vector<16xf32>
        }
        %scan3A_37 = arith.constant 50 : i32
        %mul3A_38 = arith.mulf %scan3A_36#0, %broadcast_in_dim3A_3 : vector<16xf32>
        %swap3A = arith.index_cast %scan3A_15 : i32 to index
        %swap3A_39 = arith.constant 0 : index
        %swap3A_40 = tpu.vector_load %arg8[%swap3A, %swap3A_39] {strides = array<i32>} : memref<128x160xf32, #tpu.memory_space<vmem>>, vector<1x16xf32>,
        %swap3A_41 = vector.shape_cast %swap3A_40 : vector<1x16xf32> to vector<16xf32>
        %swap3A_42 = vector.shape_cast %mul3A_38 : vector<16xf32> to vector<1x16xf32>
        tpu.vector_store %arg8[%swap3A, %swap3A_39], %swap3A_42 {strides = array<i32>} : memref<128x160xf32, #tpu.memory_space<vmem>>, vector<1x16xf32>,
        %mul3A_43 = arith.mulf %scan3A_36#1, %broadcast_in_dim3A_3 : vector<16xf32>
        %swap3A_44 = arith.index_cast %scan3A_15 : i32 to index
        %swap3A_45 = arith.constant 16 : index
        %swap3A_46 = tpu.vector_load %arg8[%swap3A_44, %swap3A_45] {strides = array<i32>} : memref<128x160xf32, #tpu.memory_space<vmem>>, vector<1x16xf32>,
        %swap3A_47 = vector.shape_cast %swap3A_46 : vector<1x16xf32> to vector<16xf32>
        %swap3A_48 = vector.shape_cast %mul3A_43 : vector<16xf32> to vector<1x16xf32>
        tpu.vector_store %arg8[%swap3A_44, %swap3A_45], %swap3A_48 {strides = array<i32>} : memref<128x160xf32, #tpu.memory_space<vmem>>, vector<1x16xf32>,
        %mul3A_49 = arith.mulf %scan3A_36#2, %broadcast_in_dim3A_3 : vector<16xf32>
        %swap3A_50 = arith.index_cast %scan3A_15 : i32 to index
        %swap3A_51 = arith.constant 32 : index
        %swap3A_52 = tpu.vector_load %arg8[%swap3A_50, %swap3A_51] {strides = array<i32>} : memref<128x160xf32, #tpu.memory_space<vmem>>, vector<1x16xf32>,
        %swap3A_53 = vector.shape_cast %swap3A_52 : vector<1x16xf32> to vector<16xf32>
        %swap3A_54 = vector.shape_cast %mul3A_49 : vector<16xf32> to vector<1x16xf32>
        tpu.vector_store %arg8[%swap3A_50, %swap3A_51], %swap3A_54 {strides = array<i32>} : memref<128x160xf32, #tpu.memory_space<vmem>>, vector<1x16xf32>,
        %mul3A_55 = arith.mulf %scan3A_36#3, %broadcast_in_dim3A_3 : vector<16xf32>
        %swap3A_56 = arith.index_cast %scan3A_15 : i32 to index
        %swap3A_57 = arith.constant 48 : index
        %swap3A_58 = tpu.vector_load %arg8[%swap3A_56, %swap3A_57] {strides = array<i32>} : memref<128x160xf32, #tpu.memory_space<vmem>>, vector<1x16xf32>,
        %swap3A_59 = vector.shape_cast %swap3A_58 : vector<1x16xf32> to vector<16xf32>
        %swap3A_60 = vector.shape_cast %mul3A_55 : vector<16xf32> to vector<1x16xf32>
        tpu.vector_store %arg8[%swap3A_56, %swap3A_57], %swap3A_60 {strides = array<i32>} : memref<128x160xf32, #tpu.memory_space<vmem>>, vector<1x16xf32>,
        %mul3A_61 = arith.mulf %scan3A_36#4, %broadcast_in_dim3A_3 : vector<16xf32>
        %swap3A_62 = arith.index_cast %scan3A_15 : i32 to index
        %swap3A_63 = arith.constant 64 : index
        %swap3A_64 = tpu.vector_load %arg8[%swap3A_62, %swap3A_63] {strides = array<i32>} : memref<128x160xf32, #tpu.memory_space<vmem>>, vector<1x16xf32>,
        %swap3A_65 = vector.shape_cast %swap3A_64 : vector<1x16xf32> to vector<16xf32>
        %swap3A_66 = vector.shape_cast %mul3A_61 : vector<16xf32> to vector<1x16xf32>
        tpu.vector_store %arg8[%swap3A_62, %swap3A_63], %swap3A_66 {strides = array<i32>} : memref<128x160xf32, #tpu.memory_space<vmem>>, vector<1x16xf32>,
        %mul3A_67 = arith.mulf %scan3A_36#5, %broadcast_in_dim3A_3 : vector<16xf32>
        %swap3A_68 = arith.index_cast %scan3A_15 : i32 to index
        %swap3A_69 = arith.constant 80 : index
        %swap3A_70 = tpu.vector_load %arg8[%swap3A_68, %swap3A_69] {strides = array<i32>} : memref<128x160xf32, #tpu.memory_space<vmem>>, vector<1x16xf32>,
        %swap3A_71 = vector.shape_cast %swap3A_70 : vector<1x16xf32> to vector<16xf32>
        %swap3A_72 = vector.shape_cast %mul3A_67 : vector<16xf32> to vector<1x16xf32>
        tpu.vector_store %arg8[%swap3A_68, %swap3A_69], %swap3A_72 {strides = array<i32>} : memref<128x160xf32, #tpu.memory_space<vmem>>, vector<1x16xf32>,
        %mul3A_73 = arith.mulf %scan3A_36#6, %broadcast_in_dim3A_3 : vector<16xf32>
        %swap3A_74 = arith.index_cast %scan3A_15 : i32 to index
        %swap3A_75 = arith.constant 96 : index
        %swap3A_76 = tpu.vector_load %arg8[%swap3A_74, %swap3A_75] {strides = array<i32>} : memref<128x160xf32, #tpu.memory_space<vmem>>, vector<1x16xf32>,
        %swap3A_77 = vector.shape_cast %swap3A_76 : vector<1x16xf32> to vector<16xf32>
        %swap3A_78 = vector.shape_cast %mul3A_73 : vector<16xf32> to vector<1x16xf32>
        tpu.vector_store %arg8[%swap3A_74, %swap3A_75], %swap3A_78 {strides = array<i32>} : memref<128x160xf32, #tpu.memory_space<vmem>>, vector<1x16xf32>,
        %mul3A_79 = arith.mulf %scan3A_36#7, %broadcast_in_dim3A_3 : vector<16xf32>
        %swap3A_80 = arith.index_cast %scan3A_15 : i32 to index
        %swap3A_81 = arith.constant 112 : index
        %swap3A_82 = tpu.vector_load %arg8[%swap3A_80, %swap3A_81] {strides = array<i32>} : memref<128x160xf32, #tpu.memory_space<vmem>>, vector<1x16xf32>,
        %swap3A_83 = vector.shape_cast %swap3A_82 : vector<1x16xf32> to vector<16xf32>
        %swap3A_84 = vector.shape_cast %mul3A_79 : vector<16xf32> to vector<1x16xf32>
        tpu.vector_store %arg8[%swap3A_80, %swap3A_81], %swap3A_84 {strides = array<i32>} : memref<128x160xf32, #tpu.memory_space<vmem>>, vector<1x16xf32>,
        %mul3A_85 = arith.mulf %scan3A_36#8, %broadcast_in_dim3A_3 : vector<16xf32>
        %swap3A_86 = arith.index_cast %scan3A_15 : i32 to index
        %swap3A_87 = arith.constant 128 : index
        %swap3A_88 = tpu.vector_load %arg8[%swap3A_86, %swap3A_87] {strides = array<i32>} : memref<128x160xf32, #tpu.memory_space<vmem>>, vector<1x16xf32>,
        %swap3A_89 = vector.shape_cast %swap3A_88 : vector<1x16xf32> to vector<16xf32>
        %swap3A_90 = vector.shape_cast %mul3A_85 : vector<16xf32> to vector<1x16xf32>
        tpu.vector_store %arg8[%swap3A_86, %swap3A_87], %swap3A_90 {strides = array<i32>} : memref<128x160xf32, #tpu.memory_space<vmem>>, vector<1x16xf32>,
        %mul3A_91 = arith.mulf %scan3A_36#9, %broadcast_in_dim3A_3 : vector<16xf32>
        %swap3A_92 = arith.index_cast %scan3A_15 : i32 to index
        %swap3A_93 = arith.constant 144 : index
        %swap3A_94 = tpu.vector_load %arg8[%swap3A_92, %swap3A_93] {strides = array<i32>} : memref<128x160xf32, #tpu.memory_space<vmem>>, vector<1x16xf32>,
        %swap3A_95 = vector.shape_cast %swap3A_94 : vector<1x16xf32> to vector<16xf32>
        %swap3A_96 = vector.shape_cast %mul3A_91 : vector<16xf32> to vector<1x16xf32>
        tpu.vector_store %arg8[%swap3A_92, %swap3A_93], %swap3A_96 {strides = array<i32>} : memref<128x160xf32, #tpu.memory_space<vmem>>, vector<1x16xf32>,
      }
    }
    %scan3A_14 = arith.constant 128 : i32
    "tpu.region"() ({
      %run_scoped3A = tpu.sem_alloc : memref<!tpu.dma_semaphore, #tpu.memory_space<semaphore_mem>>
      %dma_start3A_15 = arith.constant 0 : i32
      %dma_start3A_16 = tpu.memref_slice %arg4[%mul3A_2, %dma_start3A_15] : memref<4096x160xf32, #tpu.memory_space<hbm>> -> memref<128x160xf32, #tpu.memory_space<hbm>>
      %dma_start3A_17 = arith.constant 0 : i32
      %dma_start3A_18 = tpu.memref_slice %arg4[%mul3A_2, %dma_start3A_17] : memref<4096x160xf32, #tpu.memory_space<hbm>> -> memref<128x160xf32, #tpu.memory_space<hbm>>
      tpu.enqueue_dma source(%arg8 : memref<128x160xf32, #tpu.memory_space<vmem>>) target(%dma_start3A_18 : memref<128x160xf32, #tpu.memory_space<hbm>>) target_semaphore(%run_scoped3A : memref<!tpu.dma_semaphore, #tpu.memory_space<semaphore_mem>>)
      %dma_wait3A = arith.constant 0 : i32
      %dma_wait3A_19 = tpu.memref_slice %arg4[%mul3A_2, %dma_wait3A] : memref<4096x160xf32, #tpu.memory_space<hbm>> -> memref<128x160xf32, #tpu.memory_space<hbm>>
      %dma_wait3A_20 = arith.constant 0 : i32
      %dma_wait3A_21 = tpu.memref_slice %arg4[%mul3A_2, %dma_wait3A_20] : memref<4096x160xf32, #tpu.memory_space<hbm>> -> memref<128x160xf32, #tpu.memory_space<hbm>>
      tpu.wait_dma2 semaphore(%run_scoped3A : memref<!tpu.dma_semaphore, #tpu.memory_space<semaphore_mem>>) src(%arg8 : memref<128x160xf32, #tpu.memory_space<vmem>>) dst(%dma_wait3A_21 : memref<128x160xf32, #tpu.memory_space<hbm>>)
      tpu.yield
    }) : () -> ()
    return
  }
}

module attributes {stable_mosaic.version = 14 : i64} {
  func.func @_proj_block(%arg0: i32, %arg1: memref<300x2048xf32, #tpu.memory_space<vmem>>, %arg2: memref<300x160xf32, #tpu.memory_space<vmem>>, %arg3: memref<2048x160xf32, #tpu.memory_space<vmem>>) attributes {dimension_semantics = [#tpu.dimension_semantics<arbitrary>], iteration_bounds = array<i64: 49>, scalar_prefetch = 0 : i64, scratch_operands = 0 : i64, tpu.core_type = #tpu.core_type<tc>, window_params = [{transform_indices = @transform_0, window_bounds = array<i64: 300, 2048>}, {pipeline_mode = #tpu.pipeline_mode<synchronous>, transform_indices = @transform_1, window_bounds = array<i64: 300, 160>}, {transform_indices = @transform_2, window_bounds = array<i64: 2048, 160>}]} {
    %get3A = arith.constant 0 : index
    %get3A_0 = arith.constant 0 : index
    %get3A_1 = vector.load %arg1[%get3A, %get3A_0] : memref<300x2048xf32, #tpu.memory_space<vmem>>, vector<300x2048xf32>
    %convert_element_type3A = arith.truncf %get3A_1 : vector<300x2048xf32> to vector<300x2048xbf16>
    %get3A_2 = arith.constant 0 : index
    %get3A_3 = arith.constant 0 : index
    %get3A_4 = vector.load %arg2[%get3A_2, %get3A_3] : memref<300x160xf32, #tpu.memory_space<vmem>>, vector<300x160xf32>
    %convert_element_type3A_5 = arith.truncf %get3A_4 : vector<300x160xf32> to vector<300x160xbf16>
    %dot_general3A = arith.constant dense<0.000000e+00> : vector<2048x160xf32>
    %dot_general3A_6 = tpu.matmul %convert_element_type3A, %convert_element_type3A_5, %dot_general3A {dimension_numbers = #tpu.dot_dimension_numbers<[0], [0], [1], [1], [0, 1, 1, 1], [], []>, transpose_lhs_hint = false} : vector<300x2048xbf16>, vector<300x160xbf16>, vector<2048x160xf32> -> vector<2048x160xf32>
    %swap3A = arith.constant 0 : index
    %swap3A_7 = arith.constant 0 : index
    %swap3A_8 = vector.load %arg3[%swap3A, %swap3A_7] : memref<2048x160xf32, #tpu.memory_space<vmem>>, vector<2048x160xf32>
    tpu.vector_store %arg3[%swap3A, %swap3A_7], %dot_general3A_6 {strides = array<i32>} : memref<2048x160xf32, #tpu.memory_space<vmem>>, vector<2048x160xf32>,
    return
  }
  func.func @transform_0(%arg0: i32) -> (i32, i32) {
    %c0_i32 = arith.constant 0 : i32
    %c0_i32_0 = arith.constant 0 : i32
    return %c0_i32, %arg0 : i32, i32
  }
  func.func @transform_1(%arg0: i32) -> (i32, i32) {
    %c0_i32 = arith.constant 0 : i32
    %c0_i32_0 = arith.constant 0 : i32
    %c0_i32_1 = arith.constant 0 : i32
    return %c0_i32, %c0_i32_0 : i32, i32
  }
  func.func @transform_2(%arg0: i32) -> (i32, i32) {
    %c0_i32 = arith.constant 0 : i32
    %c0_i32_0 = arith.constant 0 : i32
    return %arg0, %c0_i32 : i32, i32
  }
}

module attributes {stable_mosaic.version = 14 : i64} {
  func.func @_mlp_block(%arg0: i32, %arg1: memref<1024x160xf32, #tpu.memory_space<vmem>>, %arg2: memref<1x160xf32, #tpu.memory_space<vmem>>, %arg3: memref<160x150xf32, #tpu.memory_space<vmem>>, %arg4: memref<1x150xf32, #tpu.memory_space<vmem>>, %arg5: memref<150x1xf32, #tpu.memory_space<vmem>>, %arg6: memref<1x1xf32, #tpu.memory_space<vmem>>, %arg7: memref<1024x1xf32, #tpu.memory_space<vmem>>) attributes {dimension_semantics = [#tpu.dimension_semantics<arbitrary>], iteration_bounds = array<i64: 4>, scalar_prefetch = 0 : i64, scratch_operands = 0 : i64, tpu.core_type = #tpu.core_type<tc>, window_params = [{transform_indices = @transform_0, window_bounds = array<i64: 1024, 160>}, {pipeline_mode = #tpu.pipeline_mode<synchronous>, transform_indices = @transform_1, window_bounds = array<i64: 1, 160>}, {pipeline_mode = #tpu.pipeline_mode<synchronous>, transform_indices = @transform_2, window_bounds = array<i64: 160, 150>}, {pipeline_mode = #tpu.pipeline_mode<synchronous>, transform_indices = @transform_3, window_bounds = array<i64: 1, 150>}, {pipeline_mode = #tpu.pipeline_mode<synchronous>, transform_indices = @transform_4, window_bounds = array<i64: 150, 1>}, {pipeline_mode = #tpu.pipeline_mode<synchronous>, transform_indices = @transform_5, window_bounds = array<i64: 1, 1>}, {transform_indices = @transform_6, window_bounds = array<i64: 1024, 1>}]} {
    %get3A = arith.constant 0 : index
    %get3A_0 = arith.constant 0 : index
    %get3A_1 = vector.load %arg1[%get3A, %get3A_0] : memref<1024x160xf32, #tpu.memory_space<vmem>>, vector<1024x160xf32>
    %get3A_2 = arith.constant 0 : index
    %get3A_3 = arith.constant 0 : index
    %get3A_4 = vector.load %arg2[%get3A_2, %get3A_3] : memref<1x160xf32, #tpu.memory_space<vmem>>, vector<1x160xf32>
    %add3A = vector.broadcast %get3A_4 : vector<1x160xf32> to vector<1024x160xf32>
    %add3A_5 = arith.addf %get3A_1, %add3A : vector<1024x160xf32>
    %max3A = arith.constant 0.000000e+00 : f32
    %max3A_6 = vector.broadcast %max3A : f32 to vector<1024x160xf32>
    %max3A_7 = arith.maximumf %add3A_5, %max3A_6 : vector<1024x160xf32>
    %get3A_8 = arith.constant 0 : index
    %get3A_9 = arith.constant 0 : index
    %get3A_10 = vector.load %arg3[%get3A_8, %get3A_9] : memref<160x150xf32, #tpu.memory_space<vmem>>, vector<160x150xf32>
    %dot_general3A = arith.constant dense<0.000000e+00> : vector<1024x150xf32>
    %dot_general3A_11 = tpu.matmul %max3A_7, %get3A_10, %dot_general3A {dimension_numbers = #tpu.dot_dimension_numbers<[1], [0], [0], [1], [0, 0, 1, 1], [], []>, transpose_lhs_hint = false} : vector<1024x160xf32>, vector<160x150xf32>, vector<1024x150xf32> -> vector<1024x150xf32>
    %get3A_12 = arith.constant 0 : index
    %get3A_13 = arith.constant 0 : index
    %get3A_14 = vector.load %arg4[%get3A_12, %get3A_13] : memref<1x150xf32, #tpu.memory_space<vmem>>, vector<1x150xf32>
    %add3A_15 = vector.broadcast %get3A_14 : vector<1x150xf32> to vector<1024x150xf32>
    %add3A_16 = arith.addf %dot_general3A_11, %add3A_15 : vector<1024x150xf32>
    %max3A_17 = arith.constant 0.000000e+00 : f32
    %max3A_18 = vector.broadcast %max3A_17 : f32 to vector<1024x150xf32>
    %max3A_19 = arith.maximumf %add3A_16, %max3A_18 : vector<1024x150xf32>
    %get3A_20 = arith.constant 0 : index
    %get3A_21 = arith.constant 0 : index
    %get3A_22 = vector.load %arg5[%get3A_20, %get3A_21] : memref<150x1xf32, #tpu.memory_space<vmem>>, vector<150x1xf32>
    %dot_general3A_23 = arith.constant dense<0.000000e+00> : vector<1024x1xf32>
    %dot_general3A_24 = tpu.matmul %max3A_19, %get3A_22, %dot_general3A_23 {dimension_numbers = #tpu.dot_dimension_numbers<[1], [0], [0], [1], [0, 0, 1, 1], [], []>, transpose_lhs_hint = false} : vector<1024x150xf32>, vector<150x1xf32>, vector<1024x1xf32> -> vector<1024x1xf32>
    %get3A_25 = arith.constant 0 : index
    %get3A_26 = arith.constant 0 : index
    %get3A_27 = vector.load %arg6[%get3A_25, %get3A_26] : memref<1x1xf32, #tpu.memory_space<vmem>>, vector<1x1xf32>
    %add3A_28 = vector.broadcast %get3A_27 : vector<1x1xf32> to vector<1024x1xf32>
    %add3A_29 = arith.addf %dot_general3A_24, %add3A_28 : vector<1024x1xf32>
    %swap3A = arith.constant 0 : index
    %swap3A_30 = arith.constant 0 : index
    %swap3A_31 = vector.load %arg7[%swap3A, %swap3A_30] : memref<1024x1xf32, #tpu.memory_space<vmem>>, vector<1024x1xf32>
    tpu.vector_store %arg7[%swap3A, %swap3A_30], %add3A_29 {strides = array<i32>} : memref<1024x1xf32, #tpu.memory_space<vmem>>, vector<1024x1xf32>,
    return
  }
  func.func @transform_0(%arg0: i32) -> (i32, i32) {
    %c0_i32 = arith.constant 0 : i32
    %c0_i32_0 = arith.constant 0 : i32
    return %arg0, %c0_i32 : i32, i32
  }
  func.func @transform_1(%arg0: i32) -> (i32, i32) {
    %c0_i32 = arith.constant 0 : i32
    %c0_i32_0 = arith.constant 0 : i32
    %c0_i32_1 = arith.constant 0 : i32
    return %c0_i32, %c0_i32_0 : i32, i32
  }
  func.func @transform_2(%arg0: i32) -> (i32, i32) {
    %c0_i32 = arith.constant 0 : i32
    %c0_i32_0 = arith.constant 0 : i32
    %c0_i32_1 = arith.constant 0 : i32
    return %c0_i32, %c0_i32_0 : i32, i32
  }
  func.func @transform_3(%arg0: i32) -> (i32, i32) {
    %c0_i32 = arith.constant 0 : i32
    %c0_i32_0 = arith.constant 0 : i32
    %c0_i32_1 = arith.constant 0 : i32
    return %c0_i32, %c0_i32_0 : i32, i32
  }
  func.func @transform_4(%arg0: i32) -> (i32, i32) {
    %c0_i32 = arith.constant 0 : i32
    %c0_i32_0 = arith.constant 0 : i32
    %c0_i32_1 = arith.constant 0 : i32
    return %c0_i32, %c0_i32_0 : i32, i32
  }
  func.func @transform_5(%arg0: i32) -> (i32, i32) {
    %c0_i32 = arith.constant 0 : i32
    %c0_i32_0 = arith.constant 0 : i32
    %c0_i32_1 = arith.constant 0 : i32
    return %c0_i32, %c0_i32_0 : i32, i32
  }
  func.func @transform_6(%arg0: i32) -> (i32, i32) {
    %c0_i32 = arith.constant 0 : i32
    %c0_i32_0 = arith.constant 0 : i32
    return %arg0, %c0_i32 : i32, i32
  }
}

</mosaic_0001>

<sc_bundles>
// kernel: kernel.5.cloned.1.call-start
scs
__scs_entry_jumppad:
0x0: {  	(pc) =	sbr.rel $0x88, $3  }
0x1: {  	(tag) =	ssettag $0x0;
	lr =	simm.s32 $0x1  }
0x2: {  	[smem:$0x3F99] =	sst lr;
	_ =	strace $0xD0000000  }
0x3: {  	_ = 	snop  }
0x4: {  	_ = 	snop  }
0x5: {  	_ = 	snop  }
0x6: {  	_ = 	snop  }
0x7: {  	_ = 	snop  }
__scs_overlays_trampoline_lowered:
0x8: {  	[smem:$0x3FA8] =	sst s0  }
0x9: {  	[smem:$0x3FA9] =	sst s1  }
0xa: {  	[smem:$0x3FAA] =	sst s2  }
0xb: {  	[smem:$0x3FAB] =	sst s3  }
0xc: {  	[smem:$0x3FAC] =	sst s4  }
0xd: {  	[smem:$0x3FAD] =	sst s5  }
0xe: {  	[smem:$0x3FAE] =	sst s6  }
0xf: {  	[smem:$0x3FAF] =	sst s7  }
0x10: {  	[smem:$0x3FB0] =	sst s8  }
0x11: {  	[smem:$0x3FB1] =	sst s9;
	s0 =	simm.s32 @!p0 $0x0  }
0x12: {  	s1 =	sld [smem:$0x3F97];
	s0 =	simm.s32 @p0 $0x1  }
0x13: {  	[smem:$0x3FB2] =	sst s0;
	s0 =	simm.s32 @!p1 $0x0  }
0x14: {  	s2 =	sld [smem:$0x3F96];
	s0 =	simm.s32 @p1 $0x1  }
0x15: {  	[smem:$0x3FB3] =	sst s0;
	s0 =	simm.s32 @!p2 $0x0  }
0x16: {  	s3 =	sld [smem:$0x3FDB];
	s0 =	simm.s32 @p2 $0x1  }
0x17: {  	s4 =	simm.s32 $0x1BF5;
	[smem:$0x3FB5] =	sst s0  }
0x18: {  	s0 =	sld [smem:$0x3F98];
	_ =	swait.ge [sflag:s4], $0x0  }
0x19: {  	s7 =	sld [smem:$0x3F99]  }
0x1a: {  	s8 =	sadd.s32 $0xFFFFE003, lr  }
0x1b: {  	s9 =	sadd.s32 $0xFFFFFEF7, lr;
	s5 =	simm.s32 $0xFFFFFFFF;
	p2 =	slt.u32 s8, $0xFFFFF086  }
0x1c: {  	p1 =	slt.u32 s9, $0xF7A;
	s5 =	simm.s32 @!p2 $0x0  }
0x1d: {  	s5 =	simm.s32 @p1 $0x1;
	p0 =	seq.s32 s7, s2  }
0x1e: {  	s7 =	smul.u32 @!p0 $0xF7A, s2;
	p2 =	seq.s32 @!p0 s5, $0x0  }
0x1f: {  	s9 =	smul.u32 $0xF7A, s1;
	s8 =	simm.s32 @!p0 $0x1BF5;
	p2 =	por !p2, p0  }
0x20: {  	[sflag:s8] =	ssyncset.s32 @!p0 $0xFFFFF086;
	s6 =	sadd.s32 @!p0 s3, s7;
	s7 =	simm.s32 @!p0 $0x108  }
0x21: {  	s3 =	sadd.s32 s3, s9;
	s6 =	sadd.s32 @!p0 $0x88, s6;
	s7 =	simm.s32 @p2 $0x1082  }
0x22: {  	[simem:s7], [sflag:s8] =	dma.local @!p0 [hbm:s6], $0xF7A  }
0x23: {  	s9 =	sor.u32 $0xD0000000, s2;
	s6 =	simm.s32 $0x108;
	_ =	swait.ge @!p0 [sflag:s8], $0x0  }
0x24: {  	s3 =	sadd.s32 $0x88, s3;
	s6 =	simm.s32 @!p1 $0x1082;
	[sflag:s4] =	ssyncset.s32 $0xFFFFF086  }
0x25: {  	[simem:s6], [sflag:s4] =	dma.local [hbm:s3], $0xF7A  }
0x26: {  	[smem:$0x3F99] =	sst s1;
	(tag) =	ssettag s2;
	_ =	strace s9  }
0x27: {  	s1 =	sld [smem:$0x3FA9]  }
0x28: {  	s2 =	sld [smem:$0x3FAA]  }
0x29: {  	s4 =	sld [smem:$0x3FAC]  }
0x2a: {  	p0 =	seq.s32 s5, $0x0;
	s5 =	sld [smem:$0x3FAD]  }
0x2b: {  	s6 =	sld [smem:$0x3FAE]  }
0x2c: {  	s7 =	sld [smem:$0x3FAF]  }
0x2d: {  	s3 =	simm.s32 $0x108;
	s8 =	sld [smem:$0x3FB0]  }
0x2e: {  	s3 =	simm.s32 @!p0 $0x1082;
	s9 =	sld [smem:$0x3FB1]  }
0x2f: {  	lr =	sadd.s32 s0, s3;
	s0 =	sld [smem:$0x3FA8]  }
0x30: {  	s3 =	sld [smem:$0x3FAB]  }
0x31: {  	[smem:$0x3FB4] =	sst s10  }
0x32: {  	s10 =	sld [smem:$0x3FB2];
	_ =	sdelay $0x3  }
0x33: {  	p0 =	seq.s32 s10, $0x1;
	s10 =	sld [smem:$0x3FB4];
	_ =	sdelay $0x3  }
0x34: {  	[smem:$0x3FB4] =	sst s10  }
0x35: {  	s10 =	sld [smem:$0x3FB3];
	_ =	sdelay $0x3  }
0x36: {  	p1 =	seq.s32 s10, $0x1;
	s10 =	sld [smem:$0x3FB4];
	_ =	sdelay $0x3  }
0x37: {  	[smem:$0x3FB4] =	sst s10  }
0x38: {  	s10 =	sld [smem:$0x3FB5]  }
0x39: {  	_ = 	snop;
	(pc) =	sbr.ind lr, $3  }
0x3a: {  	_ = 	snop  }
0x3b: {  	_ = 	snop  }
0x3c: {  	p2 =	seq.s32 s10, $0x1;
	s10 =	sld [smem:$0x3FB4]  }
0x3d: {  	_ =	shalt  }
0x3e: {  	_ =	shalt  }
0x3f: {  	_ =	shalt  }
0x40: {  	_ =	shalt  }
0x41: {  	_ =	shalt  }
0x42: {  	_ =	shalt  }
0x43: {  	_ =	shalt  }
0x44: {  	_ =	shalt  }
0x45: {  	_ =	shalt  }
0x46: {  	_ =	shalt  }
0x47: {  	_ =	shalt  }
0x48: {  	_ =	shalt  }
0x49: {  	_ =	shalt  }
0x4a: {  	_ =	shalt  }
0x4b: {  	_ =	shalt  }
0x4c: {  	_ =	shalt  }
0x4d: {  	_ =	shalt  }
0x4e: {  	_ =	shalt  }
0x4f: {  	_ =	shalt  }
0x50: {  	_ =	shalt  }
0x51: {  	_ =	shalt  }
0x52: {  	_ =	shalt  }
0x53: {  	_ =	shalt  }
0x54: {  	_ =	shalt  }
0x55: {  	_ =	shalt  }
0x56: {  	_ =	shalt  }
0x57: {  	_ =	shalt  }
0x58: {  	_ =	shalt  }
0x59: {  	_ =	shalt  }
0x5a: {  	_ =	shalt  }
0x5b: {  	_ =	shalt  }
0x5c: {  	_ =	shalt  }
0x5d: {  	_ =	shalt  }
0x5e: {  	_ =	shalt  }
0x5f: {  	_ =	shalt  }
0x60: {  	_ =	shalt  }
0x61: {  	_ =	shalt  }
0x62: {  	_ =	shalt  }
0x63: {  	_ =	shalt  }
0x64: {  	_ =	shalt  }
0x65: {  	_ =	shalt  }
0x66: {  	_ =	shalt  }
0x67: {  	_ =	shalt  }
0x68: {  	_ =	shalt  }
0x69: {  	_ =	shalt  }
0x6a: {  	_ =	shalt  }
0x6b: {  	_ =	shalt  }
0x6c: {  	_ =	shalt  }
0x6d: {  	_ =	shalt  }
0x6e: {  	_ =	shalt  }
0x6f: {  	_ =	shalt  }
0x70: {  	_ =	shalt  }
0x71: {  	_ =	shalt  }
0x72: {  	_ =	shalt  }
0x73: {  	_ =	shalt  }
0x74: {  	_ =	shalt  }
0x75: {  	_ =	shalt  }
0x76: {  	_ =	shalt  }
0x77: {  	_ =	shalt  }
0x78: {  	_ =	shalt  }
0x79: {  	_ =	shalt  }
0x7a: {  	_ =	shalt  }
0x7b: {  	_ =	shalt  }
0x7c: {  	_ =	shalt  }
0x7d: {  	_ =	shalt  }
0x7e: {  	_ =	shalt  }
0x7f: {  	_ =	shalt  }
0x80: {  	_ =	shalt  }
0x81: {  	_ =	shalt  }
0x82: {  	_ =	shalt  }
0x83: {  	_ =	shalt  }
0x84: {  	_ =	shalt  }
0x85: {  	_ =	shalt  }
0x86: {  	_ =	shalt  }
0x87: {  	_ =	shalt  }
.Lfunc_end0:
.L_simem_size_0:
called_computation_lowered:
.L_overlay_start_0:
0x88: {  	s2 =	sld [smem:$0x3FD9]  }
0x89: {  	s3 =	sld [smem:$0x3FFE];
	_ =	sdelay $0x1  }
0x8a: {  	s1 =	srdreg.scid  }
0x8b: {  	s0 =	sand.u32 $0x1, s1  }
0x8c: {  	s16 =	sshll.u32 s0, $0xA;
	s2 =	sadd.s32 s3, s2  }
0x8d: {  	s2 =	sadd.s32 s2, s16  }
0x8e: {  	[smem:$0x3FC0] =	sst s2  }
0x8f: {  	_ = 	snop  }
0x90: {  	(tm) =	ssettm $0x1  }
0x91: {  	s17 =	sld [smem:$0x3FFB];
	_ =	sdelay $0x3  }
0x92: {  	_ =	strace s17  }
0x93: {  	s2 =	sld [smem:$0x3FFC];
	_ =	sdelay $0x3  }
0x94: {  	_ =	strace s2  }
0x95: {  	s2 =	sld [smem:$0x3FFD];
	_ =	sdelay $0x3  }
0x96: {  	_ =	strace s2  }
0x97: {  	_ =	strace $0x8FFFFFFF  }
0x98: {  	s18 =	sld [smem:$0x3FDB];
	_ =	sdelay $0x1  }
0x99: {  	s19 =	simm.s32 $_scs_section_size  }
0x9a: {  	s4 =	simm.s32 $_size__tile_overlayer_lowered;
	s5 =	simm.s32 $_tile_overlayer_lowered  }
0x9b: {  	s22 =	simm.s32 $0x1BFF;
	s21 =	sshll.u32 s5, $0x1;
	s2 =	sadd.s32 s19, s18  }
0x9c: {  	s6 =	simm.s32 $0x0;
	s20 =	sshll.u32 s4, $0x1;
	s4 =	sadd.s32 s21, s2  }
0x9d: {  	[timem:s6], [sflag:s22] =	dma.local [hbm:s4], s20  }
0x9e: {  	_ =	swait.ge [sflag:s22], s20  }
0x9f: {  	s3 =	ssub.s32 $0x0, s20;
	[sflag:s22] =	ssyncset.done $0x0  }
0xa0: {  	[sflag:s22] =	ssyncadd.s32 s3;
	_ =	sdelay $0x1  }
0xa1: {  	s23 =	simm.s32 $0x1B8B  }
0xa2: {  	_ =	swait.ge [sflag:s23], $0x1  }
0xa3: {  	[sflag:s23] =	ssyncset.done $0x0  }
0xa4: {  	s25 =	simm.s32 $0x1B8E;
	s24 =	sld [smem:$0x3FFE];
	[sflag:s23] =	ssyncadd.s32 $0xFFFFFFFF  }
0xa5: {  	s26 =	simm.s32 $execute0_lowered;
	[smem:$0x3FD2] =	sst s25  }
0xa6: {  	s4 =	sshll.u32 s26, $0x1;
	_ =	strace $0x80000046;
	[dreg:$0x1] =	wrdreg $0xFFFFFFFF  }
0xa7: {  	s28 =	simm.s32 $_size_execute0_lowered;
	s2 =	sadd.s32 s2, s4;
	[dreg:$0x0] =	wrdreg $0x0  }
0xa8: {  	s4 =	sshll.u32 s28, $0x1;
	[dreg:$0x2] =	wrdreg s2  }
0xa9: {  	[dreg:$0x3] =	wrdreg s4  }
0xaa: {  	[dreg:$0x4] =	wrdreg $0xC0  }
0xab: {  	_ =	task [dreg:s6], $0x5FFFF  }
0xac: {  	[dreg:$0x1] =	wrdreg $0xFFFFFFFF  }
0xad: {  	[dreg:$0x0] =	wrdreg $0x60  }
0xae: {  	[dreg:$0x2] =	wrdreg s24  }
0xaf: {  	[dreg:$0x3] =	wrdreg $0x9  }
0xb0: {  	_ =	task.clear_ibuf [dreg:s6], $0x4FFFF;
	_ =	strace $0x90000046  }
0xb1: {  	s29 =	simm.s32 $0x9;
	_ =	strace $0x80000048  }
0xb2: {  	_ =	swait.ge [sflag:s29], $0x1  }
0xb3: {  	[sflag:s29] =	ssyncadd.s32 $0xFFFFFFFF  }
0xb4: {  	_ =	strace $0x90000048  }
0xb5: {  	_ =	sfence  }
0xb6: {  	s30 =	sld [smem:$0x0];
	_ =	sdelay $0x2  }
0xb7: {  	s31 =	sshll.u32 s1, $0xD;
	s1 =	sshrl.u32 s1, $0x2  }
0xb8: {  	s3 =	sand.u32 $0x4000, s31;
	s1 =	sadd.s32 s1, s30  }
0xb9: {  	s0 =	sor.u32 s3, s0;
	s1 =	sshll.u32 s1, $0x11  }
0xba: {  	s0 =	sor.u32 s1, s0  }
0xbb: {  	s0 =	sadd.s32 $0x8F2B, s0  }
0xbc: {  	[sflag:s0] =	ssyncadd.remote.s32 $0x1  }
0xbd: {  	_ =	sfence.sel $0xFFFF  }
0xbe: {  	[dreg:$0x0] =	wrdreg $0xFFFFFFFF;
	(pc) =	sbr.abs _section_cstart, $3  }
0xbf: {  	[dreg:$0x1] =	wrdreg $0xFFFFFFFF  }
0xc0: {  	_ =	task.clear_ibuf [dreg:s6], $0x2FFFF;
	_ =	strace $0x9FFFFFFF  }
0xc1: {  	(tm) =	ssettm $0x7FFFFFFF  }
tec
execute0_lowered:
.L_overlay_start_1:
0x0: {  	(tag) =	ssettag $0x1  }
0x1: {  	s1 =	srdreg.scid  }
0x2: {  	s0 =	stileid.u32;
	s5 =	rddreg [dreg:$0x0];
	s8 =	simm.s32 $0x32  }
0x3: {  	s9 =	simm.s32 $0x1C00;
	s10 =	simm.s32 $0x2;
	s4 =	sand.u32 $0x1, s1  }
0x4: {  	s11 =	simm.s32 $0x5A80;
	s30 =	sshll.u32 s0, $0x8;
	s2 =	sshll.u32 s4, $0x7  }
0x5: {  	s12 =	simm.s32 $0x3B40;
	s13 =	simm.s32 $0x1;
	s3 =	sor.u32 s2, s30  }
0x6: {  	s14 =	simm.s32 $0x0;
	s1 =	rddreg [dreg:$0x1];
	s6 =	smul.u32 $0x7, s3  }
.Ltmp0:
0x7: {  	s4 =	ssub.s32 $0x2, s4;
	s2 =	simm.s32 $0x0;
	(pc) =	sbr.rel .LBB2_1-.Ltmp0, $4  }
0x8: {  	s31 =	sshrl.u32 s4, $0x1;
	[smem:$0x7FF] =	sst s2;
	s7 =	smul.u32 $0x14, s3  }
0x9: {  	s3 =	sadd.s32 $0x310E00, s5;
	_ =	strace $0x80000047;
	s6 =	sadd.s32 s6, s5  }
0xa: {  	s5 =	sadd.s32 s7, s5;
	s7 =	ssub.s32 s4, s31;
	s4 =	sadd.s32 $0xE00, s6  }
0xb: {  	s5 =	sadd.s32 $0x7E00, s5;
	s6 =	smax.u32 s7, $0x1;
	s7 =	simm.s32 $0x3  }
.LBB2_12:
0xc: {  	s14 =	sadd.s32 $0x1, s14  }
0xd: {  	p0 =	sne.s32 s14, s6  }
.Ltmp1:
0xe: {  	_ = 	snop;
	(pc) =	sbr.rel @!p0 .LBB2_13-.Ltmp1, $4  }
0xf: {  	[hbm4b:s5+s2] =	stream.linear.scatter [tilespmem:s11], [sflag:$0x3], $0x5000, $0x38;
	[tilespmem:$0xAA80] =	vst v63  }
0x10: {  	_ =	swait.ge [sflag:s7], $0x5000  }
0x11: {  	[sflag:s7] =	ssyncset.done $0x0  }
0x12: {  	[sflag:s7] =	ssyncadd.s32 $0xFFFFB000  }
.LBB2_1:
0x13: {  	[tilespmem:s2], [sflag:$0x3] =	stream.linear.gather [hbm4b:s4+s2], $0x1C00, $0x38;
	[tilespmem:$0xAA80] =	vst v63  }
.Ltmp2:
0x14: {  	_ = 	snop;
	(pc) =	sbr.rel .LBB2_2-.Ltmp2, $4  }
0x15: {  	_ =	swait.ge [sflag:s7], $0x1C00  }
0x16: {  	[sflag:s7] =	ssyncset.done $0x0  }
0x17: {  	s16 =	simm.s32 $0x0;
	[sflag:s7] =	ssyncadd.s32 $0xFFFFE400  }
0x18: {  	[tilespmem:s9], [sflag:$0x1] =	stream.indirect.gather [hbm4b:s3+s8], $0xA0, s2, s8, $0xb8;
	[tilespmem:$0xAA80] =	vst v63  }
.LBB2_10:
0x19: {  	v15 =	vld [tilespmem:s17+$0x1C90]  }
0x1a: {  	v16 =	vld [tilespmem:s17+$0x1C00]  }
0x1b: {  	v17 =	vld [tilespmem:s17+$0x1C10]  }
0x1c: {  	v18 =	vld [tilespmem:s17+$0x1C20]  }
0x1d: {  	v19 =	vld [tilespmem:s17+$0x1C30]  }
0x1e: {  	v20 =	vld [tilespmem:s17+$0x1C40]  }
0x1f: {  	v21 =	vld [tilespmem:s17+$0x1C50]  }
0x20: {  	v5 =	vadd.f32 v10, v5;
	v10 =	vld [tilespmem:s17+$0x1C60]  }
0x21: {  	v6 =	vadd.f32 v11, v6;
	v9 =	vadd.f32 v12, v9;
	v11 =	vld [tilespmem:s17+$0x1C70]  }
0x22: {  	v61 =	vadd.f32 v13, v7;
	v62 =	vadd.f32 v14, v8;
	v63 =	vld [tilespmem:s17+$0x1C80]  }
0x23: {  	v0 =	vadd.f32 v15, v0;
	v1 =	vadd.f32 v16, v1  }
0x24: {  	v2 =	vadd.f32 v17, v2;
	v3 =	vadd.f32 v18, v3  }
0x25: {  	v4 =	vadd.f32 v19, v4;
	v5 =	vadd.f32 v20, v5  }
0x26: {  	v6 =	vadd.f32 v21, v6;
	v7 =	vadd.f32 v10, v9  }
0x27: {  	v8 =	vadd.f32 v11, v61;
	v9 =	vadd.f32 v63, v62  }
.LBB2_11:
0x28: {  	s16 =	smul.u32 $0x280, s16  }
0x29: {  	v1 =	vmul.f32 $1.999999960e-02, v1  }
0x2a: {  	v2 =	vmul.f32 $1.999999960e-02, v2;
	s16 =	sshra.s32 s16, $0x2  }
0x2b: {  	v57 =	vmul.f32 $1.999999960e-02, v3;
	[tilespmem:s16+$0x5A80] =	vst v1  }
0x2c: {  	v58 =	vmul.f32 $1.999999960e-02, v4;
	[tilespmem:s16+$0x5A90] =	vst v2  }
0x2d: {  	v59 =	vmul.f32 $1.999999960e-02, v5;
	[tilespmem:s16+$0x5AA0] =	vst v57  }
0x2e: {  	v60 =	vmul.f32 $1.999999960e-02, v6;
	[tilespmem:s16+$0x5AB0] =	vst v58  }
0x2f: {  	v61 =	vmul.f32 $1.999999960e-02, v7;
	p0 =	sne.s32 s15, $0x80;
	[tilespmem:s16+$0x5AC0] =	vst v59  }
.Ltmp3:
0x30: {  	v62 =	vmul.f32 $1.999999960e-02, v8;
	[tilespmem:s16+$0x5AD0] =	vst v60;
	(pc) =	sbr.rel @!p0 .LBB2_12-.Ltmp3, $4  }
0x31: {  	v63 =	vmul.f32 $1.999999960e-02, v9;
	[tilespmem:s16+$0x5AE0] =	vst v61  }
0x32: {  	v0 =	vmul.f32 $1.999999960e-02, v0;
	[tilespmem:s16+$0x5AF0] =	vst v62  }
0x33: {  	[tilespmem:s16+$0x5B00] =	vst v63  }
0x34: {  	[tilespmem:s16+$0x5B10] =	vst v0;
	s16 =	smov.u32 s15  }
.LBB2_2:
0x35: {  	p0 =	seq.s32 s16, $0x7F  }
.Ltmp4:
0x36: {  	_ = 	snop;
	(pc) =	sbr.rel @p0 .LBB2_5-.Ltmp4, $2  }
0x37: {  	_ =	sdelay $0x2  }
0x38: {  	s15 =	sadd.s32 $0x1, s16  }
0x39: {  	s17 =	sand.u32 $0x1, s16  }
0x3a: {  	p0 =	seq.s32 s17, $0x0  }
.Ltmp5:
0x3b: {  	_ = 	snop;
	(pc) =	sbr.rel @!p0 .LBB2_4-.Ltmp5, $3  }
0x3c: {  	_ = 	snop  }
0x3d: {  	s18 =	smul.u32 $0xE0, s15;
	_ =	sdelay $0x1  }
0x3e: {  	s17 =	sshra.s32 s18, $0x2  }
0x3f: {  	[tilespmem:s12], [sflag:$0x2] =	stream.indirect.gather [hbm4b:s3+s8], $0xA0, s17, s8, $0xb8;
	[tilespmem:$0xAA80] =	vst v63  }
0x40: {  	_ =	swait.ge [sflag:s13], $0x1F40  }
0x41: {  	[sflag:s13] =	ssyncset.done $0x0  }
0x42: {  	s19 =	simm.s32 $0x0;
	[sflag:s13] =	ssyncadd.s32 $0xFFFFE0C0  }
0x43: {  	v0 =	vld [tilespmem:s19+$0x1C90]  }
0x44: {  	v1 =	vld [tilespmem:s19+$0x1C00]  }
0x45: {  	v2 =	vld [tilespmem:s19+$0x1C10]  }
0x46: {  	v3 =	vld [tilespmem:s19+$0x1C20]  }
0x47: {  	v4 =	vld [tilespmem:s19+$0x1C30]  }
0x48: {  	v10 =	vld [tilespmem:s19+$0x1C40]  }
0x49: {  	v5 =	vimm.f32 $0.0e+00;
	v11 =	vld [tilespmem:s19+$0x1C50]  }
0x4a: {  	v6 =	vimm.f32 $0.0e+00;
	v9 =	vimm.f32 $0.0e+00;
	v12 =	vld [tilespmem:s19+$0x1C60];
	v0 =	vadd.f32 v0, v5  }
0x4b: {  	v7 =	vimm.f32 $0.0e+00;
	v13 =	vld [tilespmem:s19+$0x1C70];
	v1 =	vadd.f32 v1, v5;
	v2 =	vadd.f32 v2, v5  }
0x4c: {  	s17 =	simm.s32 $0xA0;
	s18 =	simm.s32 $0x500;
	v8 =	vimm.f32 $0.0e+00;
	v14 =	vld [tilespmem:s19+$0x1C80];
	v3 =	vadd.f32 v3, v5;
	v4 =	vadd.f32 v4, v5  }
.LBB2_9:
0x4d: {  	p0 =	seq.s32 s18, $0x7A80;
	v15 =	vld [tilespmem:s17+$0x1C90];
	v5 =	vadd.f32 v10, v5  }
0x4e: {  	v6 =	vadd.f32 v11, v6;
	v16 =	vld [tilespmem:s17+$0x1C00]  }
0x4f: {  	v9 =	vadd.f32 v12, v9;
	v17 =	vld [tilespmem:s17+$0x1C10]  }
0x50: {  	v7 =	vadd.f32 v13, v7;
	v18 =	vld [tilespmem:s17+$0x1C20]  }
0x51: {  	v8 =	vadd.f32 v14, v8;
	v19 =	vld [tilespmem:s17+$0x1C30]  }
.Ltmp6:
0x52: {  	v10 =	vld [tilespmem:s17+$0x1C40];
	v0 =	vadd.f32 v15, v0;
	(pc) =	sbr.rel @!p0 .LBB2_9-.Ltmp6, $4  }
0x53: {  	v1 =	vadd.f32 v16, v1;
	v11 =	vld [tilespmem:s17+$0x1C50]  }
0x54: {  	v2 =	vadd.f32 v17, v2;
	v12 =	vld [tilespmem:s17+$0x1C60]  }
0x55: {  	v3 =	vadd.f32 v18, v3;
	v13 =	vld [tilespmem:s17+$0x1C70]  }
0x56: {  	v4 =	vadd.f32 v19, v4;
	v14 =	vld [tilespmem:s17+$0x1C80];
	s17 =	sshra.s32 s18, $0x2;
	s18 =	sadd.s32 $0x280, s18  }
.Ltmp7:
0x57: {  	_ = 	snop;
	(pc) =	sbr.rel .LBB2_10-.Ltmp7, $1  }
0x58: {  	_ =	sdelay $0x3  }
.LBB2_4:
0x59: {  	[tilespmem:s9], [sflag:$0x1] =	stream.indirect.gather [hbm4b:s3+s8], $0xA0, s17, s8, $0xb8;
	[tilespmem:$0xAA80] =	vst v63  }
.LBB2_5:
0x5a: {  	_ =	swait.ge [sflag:s10], $0x1F40  }
0x5b: {  	[sflag:s10] =	ssyncset.done $0x0  }
0x5c: {  	s19 =	simm.s32 $0x0;
	[sflag:s10] =	ssyncadd.s32 $0xFFFFE0C0  }
0x5d: {  	v0 =	vld [tilespmem:s19+$0x3BD0]  }
0x5e: {  	v1 =	vld [tilespmem:s19+$0x3B40]  }
0x5f: {  	v2 =	vld [tilespmem:s19+$0x3B50]  }
0x60: {  	v3 =	vld [tilespmem:s19+$0x3B60]  }
0x61: {  	v4 =	vld [tilespmem:s19+$0x3B70]  }
0x62: {  	v10 =	vld [tilespmem:s19+$0x3B80]  }
0x63: {  	v5 =	vimm.f32 $0.0e+00;
	v11 =	vld [tilespmem:s19+$0x3B90]  }
0x64: {  	v6 =	vimm.f32 $0.0e+00;
	v9 =	vimm.f32 $0.0e+00;
	v12 =	vld [tilespmem:s19+$0x3BA0];
	v0 =	vadd.f32 v0, v5  }
0x65: {  	v7 =	vimm.f32 $0.0e+00;
	v13 =	vld [tilespmem:s19+$0x3BB0];
	v1 =	vadd.f32 v1, v5;
	v2 =	vadd.f32 v2, v5  }
0x66: {  	s17 =	simm.s32 $0xA0;
	s18 =	simm.s32 $0x500;
	v8 =	vimm.f32 $0.0e+00;
	v14 =	vld [tilespmem:s19+$0x3BC0];
	v3 =	vadd.f32 v3, v5;
	v4 =	vadd.f32 v4, v5  }
.LBB2_6:
0x67: {  	p0 =	sne.s32 s18, $0x7A80;
	v15 =	vld [tilespmem:s17+$0x3BD0];
	v5 =	vadd.f32 v10, v5  }
0x68: {  	v16 =	vld [tilespmem:s17+$0x3B40];
	v6 =	vadd.f32 v11, v6  }
0x69: {  	v17 =	vld [tilespmem:s17+$0x3B50];
	v9 =	vadd.f32 v12, v9  }
0x6a: {  	v18 =	vld [tilespmem:s17+$0x3B60];
	v7 =	vadd.f32 v13, v7  }
0x6b: {  	v19 =	vld [tilespmem:s17+$0x3B70];
	v8 =	vadd.f32 v14, v8  }
.Ltmp8:
0x6c: {  	v10 =	vld [tilespmem:s17+$0x3B80];
	v0 =	vadd.f32 v15, v0;
	(pc) =	sbr.rel @p0 .LBB2_6-.Ltmp8, $4  }
0x6d: {  	v1 =	vadd.f32 v16, v1;
	v11 =	vld [tilespmem:s17+$0x3B90]  }
0x6e: {  	v2 =	vadd.f32 v17, v2;
	v12 =	vld [tilespmem:s17+$0x3BA0]  }
0x6f: {  	v3 =	vadd.f32 v18, v3;
	v13 =	vld [tilespmem:s17+$0x3BB0]  }
0x70: {  	v4 =	vadd.f32 v19, v4;
	v14 =	vld [tilespmem:s17+$0x3BC0];
	s17 =	sshra.s32 s18, $0x2;
	s18 =	sadd.s32 $0x280, s18  }
0x71: {  	v15 =	vld [tilespmem:s17+$0x3BD0]  }
0x72: {  	v16 =	vld [tilespmem:s17+$0x3B40]  }
0x73: {  	v17 =	vld [tilespmem:s17+$0x3B50]  }
0x74: {  	v18 =	vld [tilespmem:s17+$0x3B60]  }
0x75: {  	v19 =	vld [tilespmem:s17+$0x3B70]  }
0x76: {  	v20 =	vld [tilespmem:s17+$0x3B80]  }
0x77: {  	v21 =	vld [tilespmem:s17+$0x3B90]  }
0x78: {  	v5 =	vadd.f32 v10, v5;
	v10 =	vld [tilespmem:s17+$0x3BA0]  }
0x79: {  	v63 =	vld [tilespmem:s17+$0x3BC0];
	v6 =	vadd.f32 v11, v6;
	v9 =	vadd.f32 v12, v9  }
0x7a: {  	v11 =	vld [tilespmem:s17+$0x3BB0];
	v61 =	vadd.f32 v13, v7;
	v62 =	vadd.f32 v14, v8  }
.Ltmp9:
0x7b: {  	v0 =	vadd.f32 v15, v0;
	v1 =	vadd.f32 v16, v1;
	(pc) =	sbr.rel .LBB2_11-.Ltmp9, $4  }
0x7c: {  	v2 =	vadd.f32 v17, v2;
	v3 =	vadd.f32 v18, v3  }
0x7d: {  	v4 =	vadd.f32 v19, v4;
	v5 =	vadd.f32 v20, v5  }
0x7e: {  	v6 =	vadd.f32 v21, v6;
	v7 =	vadd.f32 v10, v9  }
0x7f: {  	v8 =	vadd.f32 v11, v61;
	v9 =	vadd.f32 v63, v62  }
.LBB2_13:
0x80: {  	_ =	sfence.sel $0x180000  }
0x81: {  	[bflag:$0x0] =	sbarrier.arrive $0xFFFF  }
0x82: {  	p0 =	sne.s32 s0, $0x0;
	_ =	strace $0x90000047  }
0x83: {  	s0 =	sadd.s32 @!p0 $0x100000, s1;
	[bflag:$0x2] =	sbarrier.arrive $0xFFFF  }
0x84: {  	[sflag:s0] =	ssyncadd.tile.s32 @!p0 $0x1;
	_ =	shalt  }
.Lfunc_end2:
_tile_overlayer_lowered:
.L_overlay_start_2:
0x85: {  	(tag) =	ssettag $0x2  }
0x86: {  	s0 =	rddreg [dreg:$0x0];
	s2 =	stileid.u32  }
0x87: {  	s1 =	rddreg [dreg:$0x1];
	p0 =	sne.s32 s2, $0x0  }
0x88: {  	s3 =	rddreg [dreg:$0x2];
	[bflag:$0x3] =	sbarrier.arrive $0xFFFF;
	s2 =	simm.s32 @!p0 $0x1C03  }
0x89: {  	[timem:s3], [sflag:s2] =	dma.local @!p0 [hbm:s0], s1  }
0x8a: {  	s0 =	simm.s32 @!p0 $0x3  }
0x8b: {  	_ =	swait.ge @!p0 [sflag:s0], s1  }
0x8c: {  	s1 =	ssub.s32 @!p0 $0x0, s1;
	[sflag:s0] =	ssyncset.done @!p0 $0x0  }
0x8d: {  	[sflag:s0] =	ssyncadd.s32 @!p0 s1  }
0x8e: {  	[bflag:$0x3] =	sbarrier.arrive $0xFFFF  }
0x8f: {  	_ =	shalt  }

</sc_bundles>
